<compile_context>
chip_gen: v7x
topology: tpu7x:2x2x1
jax: 0.10.2.dev20260603
libtpu: 0.0.44.dev20260713+nightly
codegen_flags: <defaults>
</compile_context>

<pallas_src>
import functools

import jax
import jax.numpy as jnp
from jax import lax
from jax.experimental import pallas as pl
from jax.experimental.pallas import tpu as pltpu
from jax.experimental.pallas import tpu_sc as plsc

_EMBED = 128
_BATCH = 16384

_info = plsc.get_sparse_core_info()
_NC = _info.num_cores
_NS = _info.num_subcores
_NW = _NC * _NS
_BPW = _BATCH // _NW
_CHUNK = 128
_NCHUNK = _BPW // _CHUNK

_mesh = plsc.VectorSubcoreMesh(core_axis_name="c", subcore_axis_name="s")


@functools.partial(
    pl.kernel,
    mesh=_mesh,
    out_type=jax.ShapeDtypeStruct((_BATCH, _EMBED), jnp.float32),
    scratch_types=[
        pltpu.VMEM((_BPW,), jnp.int32),
        pltpu.VMEM((_BPW, _EMBED), jnp.float32),
    ]
    + [pltpu.SemaphoreType.DMA] * _NCHUNK
    + [pltpu.SemaphoreType.DMA] * _NCHUNK
    + [pltpu.SemaphoreType.DMA],
)
def _gather_rows(table_hbm, idx_hbm, out_hbm, idx_v, rows_v, *sems):
    idx_sems = sems[:_NCHUNK]
    gather_sems = sems[_NCHUNK : 2 * _NCHUNK]
    store_sem = sems[2 * _NCHUNK]
    wid = lax.axis_index("s") * _NC + lax.axis_index("c")
    base = wid * _BPW
    idx_copies = []
    for j in range(_NCHUNK):
        idx_copies.append(
            pltpu.async_copy(
                idx_hbm.at[pl.ds(base + j * _CHUNK, _CHUNK)],
                idx_v.at[pl.ds(j * _CHUNK, _CHUNK)],
                idx_sems[j],
            )
        )
    gathers = []
    for j in range(_NCHUNK):
        idx_copies[j].wait()
        gathers.append(
            pltpu.async_copy(
                table_hbm.at[idx_v.at[pl.ds(j * _CHUNK, _CHUNK)]],
                rows_v.at[pl.ds(j * _CHUNK, _CHUNK)],
                gather_sems[j],
            )
        )
    stores = []
    for j in range(_NCHUNK):
        gathers[j].wait()
        stores.append(
            pltpu.async_copy(
                rows_v.at[pl.ds(j * _CHUNK, _CHUNK)],
                out_hbm.at[pl.ds(base + j * _CHUNK, _CHUNK)],
                store_sem,
            )
        )
    for c in stores:
        c.wait()


def kernel(x, t, table):
    del x
    emb = _gather_rows(table, t.astype(jnp.int32))
    return emb[:, :, None, None]

# --- scband reference (transcript-rebuilt; emitter-appended) ---
"""Pipeline reference for scband-positional-embeddings-1314259992859 (READ-ONLY COPY).

The authoritative reference and input builder live on the scoring server;
editing this copy changes nothing except your own understanding.
"""

import jax, jax.numpy as jnp
import numpy as np
import math

EMBED_DIM = 128
TIME_STEPS = 100000
BATCH = 16384

def _build_table():
    pos = np.arange(TIME_STEPS, dtype=np.float32)[:, None]
    div = np.exp(np.arange(0, EMBED_DIM, 2, dtype=np.float32) * -(math.log(10000.0) / EMBED_DIM))
    emb = np.zeros((TIME_STEPS, EMBED_DIM), dtype=np.float32)
    emb[:, 0::2] = np.sin(pos * div)
    emb[:, 1::2] = np.cos(pos * div)
    return jnp.asarray(emb)

def setup_inputs(seed: int = 0):
    key = jax.random.key(seed)
    k1, k2 = jax.random.split(key)
    x = jax.random.normal(k1, (BATCH, EMBED_DIM), dtype=jnp.float32)
    t = jax.random.randint(k2, (BATCH,), 0, TIME_STEPS)
    table = _build_table()
    return {"x": x, "t": t, "table": table}

def reference(x, t, table):
    # embeddings = self.embeddings[t]  -> row gather from precomputed sinusoidal table
    emb = jnp.take(table, t, axis=0)
    # return embeddings[:, :, None, None]
    return emb[:, :, None, None]

if __name__ == "__main__":
    import jax
    _d = setup_inputs()
    print(jax.jit(kernel)(*tuple(_d.values())))

</pallas_src>

<mosaic_0001>
#map = affine_map<(d0, d1) -> (0, 0)>
#map1 = affine_map<(d0, d1) -> (0)>
module attributes {stable_mosaic.version = 14 : i64} {
  func.func @_gather_rows(%arg0: i32, %arg1: i32, %arg2: memref<100000x128xf32, #tpu.memory_space<hbm>>, %arg3: memref<16384xi32, #tpu.memory_space<hbm>>, %arg4: memref<16384x128xf32, #tpu.memory_space<hbm>>, %arg5: memref<512xi32, #tpu.memory_space<vmem>>, %arg6: memref<512x128xf32, #tpu.memory_space<vmem>>, %arg7: memref<!tpu.dma_semaphore, #tpu.memory_space<semaphore_mem>>, %arg8: memref<!tpu.dma_semaphore, #tpu.memory_space<semaphore_mem>>, %arg9: memref<!tpu.dma_semaphore, #tpu.memory_space<semaphore_mem>>, %arg10: memref<!tpu.dma_semaphore, #tpu.memory_space<semaphore_mem>>, %arg11: memref<!tpu.dma_semaphore, #tpu.memory_space<semaphore_mem>>, %arg12: memref<!tpu.dma_semaphore, #tpu.memory_space<semaphore_mem>>, %arg13: memref<!tpu.dma_semaphore, #tpu.memory_space<semaphore_mem>>, %arg14: memref<!tpu.dma_semaphore, #tpu.memory_space<semaphore_mem>>, %arg15: memref<!tpu.dma_semaphore, #tpu.memory_space<semaphore_mem>>) attributes {dimension_semantics = [#tpu.dimension_semantics<core_parallel>, #tpu.dimension_semantics<subcore_parallel>], iteration_bounds = array<i64: 2, 16>, scalar_prefetch = 0 : i64, scratch_operands = 11 : i64, tpu.core_type = #tpu.core_type<sc_vector_subcore>, window_params = [{transform_indices = #map}, {transform_indices = #map1}, {transform_indices = #map}]} {
    %mul3A = arith.constant 2 : i32
    %mul3A_0 = arith.muli %arg1, %mul3A : i32
    %add3A = arith.addi %mul3A_0, %arg0 : i32
    %mul3A_1 = arith.constant 512 : i32
    %mul3A_2 = arith.muli %add3A, %mul3A_1 : i32
    %add3A_3 = arith.constant 0 : i32
    %add3A_4 = arith.addi %mul3A_2, %add3A_3 : i32
    %dma_start3A = arith.constant 0 : i32
    %dma_start3A_5 = tpu.memref_slice %arg5[%dma_start3A] : memref<512xi32, #tpu.memory_space<vmem>> -> memref<128xi32, #tpu.memory_space<vmem>>
    %dma_start3A_6 = tpu.memref_slice %arg3[%add3A_4] : memref<16384xi32, #tpu.memory_space<hbm>> -> memref<128xi32, #tpu.memory_space<hbm>>
    %dma_start3A_7 = arith.constant 0 : i32
    %dma_start3A_8 = tpu.memref_slice %arg5[%dma_start3A_7] : memref<512xi32, #tpu.memory_space<vmem>> -> memref<128xi32, #tpu.memory_space<vmem>>
    %dma_start3A_9 = tpu.memref_slice %arg3[%add3A_4] : memref<16384xi32, #tpu.memory_space<hbm>> -> memref<128xi32, #tpu.memory_space<hbm>>
    tpu.enqueue_dma source(%dma_start3A_9 : memref<128xi32, #tpu.memory_space<hbm>>) target(%dma_start3A_8 : memref<128xi32, #tpu.memory_space<vmem>>) target_semaphore(%arg7 : memref<!tpu.dma_semaphore, #tpu.memory_space<semaphore_mem>>)
    %add3A_10 = arith.constant 128 : i32
    %add3A_11 = arith.addi %mul3A_2, %add3A_10 : i32
    %dma_start3A_12 = arith.constant 128 : i32
    %dma_start3A_13 = tpu.memref_slice %arg5[%dma_start3A_12] : memref<512xi32, #tpu.memory_space<vmem>> -> memref<128xi32, #tpu.memory_space<vmem>>
    %dma_start3A_14 = tpu.memref_slice %arg3[%add3A_11] : memref<16384xi32, #tpu.memory_space<hbm>> -> memref<128xi32, #tpu.memory_space<hbm>>
    %dma_start3A_15 = arith.constant 128 : i32
    %dma_start3A_16 = tpu.memref_slice %arg5[%dma_start3A_15] : memref<512xi32, #tpu.memory_space<vmem>> -> memref<128xi32, #tpu.memory_space<vmem>>
    %dma_start3A_17 = tpu.memref_slice %arg3[%add3A_11] : memref<16384xi32, #tpu.memory_space<hbm>> -> memref<128xi32, #tpu.memory_space<hbm>>
    tpu.enqueue_dma source(%dma_start3A_17 : memref<128xi32, #tpu.memory_space<hbm>>) target(%dma_start3A_16 : memref<128xi32, #tpu.memory_space<vmem>>) target_semaphore(%arg8 : memref<!tpu.dma_semaphore, #tpu.memory_space<semaphore_mem>>)
    %add3A_18 = arith.constant 256 : i32
    %add3A_19 = arith.addi %mul3A_2, %add3A_18 : i32
    %dma_start3A_20 = arith.constant 256 : i32
    %dma_start3A_21 = tpu.memref_slice %arg5[%dma_start3A_20] : memref<512xi32, #tpu.memory_space<vmem>> -> memref<128xi32, #tpu.memory_space<vmem>>
    %dma_start3A_22 = tpu.memref_slice %arg3[%add3A_19] : memref<16384xi32, #tpu.memory_space<hbm>> -> memref<128xi32, #tpu.memory_space<hbm>>
    %dma_start3A_23 = arith.constant 256 : i32
    %dma_start3A_24 = tpu.memref_slice %arg5[%dma_start3A_23] : memref<512xi32, #tpu.memory_space<vmem>> -> memref<128xi32, #tpu.memory_space<vmem>>
    %dma_start3A_25 = tpu.memref_slice %arg3[%add3A_19] : memref<16384xi32, #tpu.memory_space<hbm>> -> memref<128xi32, #tpu.memory_space<hbm>>
    tpu.enqueue_dma source(%dma_start3A_25 : memref<128xi32, #tpu.memory_space<hbm>>) target(%dma_start3A_24 : memref<128xi32, #tpu.memory_space<vmem>>) target_semaphore(%arg9 : memref<!tpu.dma_semaphore, #tpu.memory_space<semaphore_mem>>)
    %add3A_26 = arith.constant 384 : i32
    %add3A_27 = arith.addi %mul3A_2, %add3A_26 : i32
    %dma_start3A_28 = arith.constant 384 : i32
    %dma_start3A_29 = tpu.memref_slice %arg5[%dma_start3A_28] : memref<512xi32, #tpu.memory_space<vmem>> -> memref<128xi32, #tpu.memory_space<vmem>>
    %dma_start3A_30 = tpu.memref_slice %arg3[%add3A_27] : memref<16384xi32, #tpu.memory_space<hbm>> -> memref<128xi32, #tpu.memory_space<hbm>>
    %dma_start3A_31 = arith.constant 384 : i32
    %dma_start3A_32 = tpu.memref_slice %arg5[%dma_start3A_31] : memref<512xi32, #tpu.memory_space<vmem>> -> memref<128xi32, #tpu.memory_space<vmem>>
    %dma_start3A_33 = tpu.memref_slice %arg3[%add3A_27] : memref<16384xi32, #tpu.memory_space<hbm>> -> memref<128xi32, #tpu.memory_space<hbm>>
    tpu.enqueue_dma source(%dma_start3A_33 : memref<128xi32, #tpu.memory_space<hbm>>) target(%dma_start3A_32 : memref<128xi32, #tpu.memory_space<vmem>>) target_semaphore(%arg10 : memref<!tpu.dma_semaphore, #tpu.memory_space<semaphore_mem>>)
    %dma_wait3A = arith.constant 0 : i32
    %dma_wait3A_34 = tpu.memref_slice %arg5[%dma_wait3A] : memref<512xi32, #tpu.memory_space<vmem>> -> memref<128xi32, #tpu.memory_space<vmem>>
    %dma_wait3A_35 = tpu.memref_slice %arg3[%add3A_4] : memref<16384xi32, #tpu.memory_space<hbm>> -> memref<128xi32, #tpu.memory_space<hbm>>
    %dma_wait3A_36 = arith.constant 0 : i32
    %dma_wait3A_37 = tpu.memref_slice %arg5[%dma_wait3A_36] : memref<512xi32, #tpu.memory_space<vmem>> -> memref<128xi32, #tpu.memory_space<vmem>>
    %dma_wait3A_38 = tpu.memref_slice %arg3[%add3A_4] : memref<16384xi32, #tpu.memory_space<hbm>> -> memref<128xi32, #tpu.memory_space<hbm>>
    tpu.wait_dma2 semaphore(%arg7 : memref<!tpu.dma_semaphore, #tpu.memory_space<semaphore_mem>>) src(%dma_wait3A_38 : memref<128xi32, #tpu.memory_space<hbm>>) dst(%dma_wait3A_37 : memref<128xi32, #tpu.memory_space<vmem>>)
    %dma_start3A_39 = arith.constant 0 : i32
    %dma_start3A_40 = arith.constant 0 : i32
    %dma_start3A_41 = tpu.memref_slice %arg6[%dma_start3A_39, %dma_start3A_40] : memref<512x128xf32, #tpu.memory_space<vmem>> -> memref<128x128xf32, #tpu.memory_space<vmem>>
    %dma_start3A_42 = arith.constant 0 : i32
    %dma_start3A_43 = tpu.memref_slice %arg5[%dma_start3A_42] : memref<512xi32, #tpu.memory_space<vmem>> -> memref<128xi32, #tpu.memory_space<vmem>>
    %dma_start3A_44 = arith.constant 0 : i32
    %dma_start3A_45 = arith.constant 0 : i32
    %dma_start3A_46 = tpu.memref_slice %arg2[%dma_start3A_44, %dma_start3A_45] : memref<100000x128xf32, #tpu.memory_space<hbm>> -> memref<100000x128xf32, #tpu.memory_space<hbm>>
    tpu.enqueue_indirect_dma source(%dma_start3A_46 : memref<100000x128xf32, #tpu.memory_space<hbm>>) target(%dma_start3A_41 : memref<128x128xf32, #tpu.memory_space<vmem>>) offsets(%dma_start3A_43 : memref<128xi32, #tpu.memory_space<vmem>>) semaphore(%arg11 : memref<!tpu.dma_semaphore, #tpu.memory_space<semaphore_mem>>)
    %dma_wait3A_47 = arith.constant 128 : i32
    %dma_wait3A_48 = tpu.memref_slice %arg5[%dma_wait3A_47] : memref<512xi32, #tpu.memory_space<vmem>> -> memref<128xi32, #tpu.memory_space<vmem>>
    %dma_wait3A_49 = tpu.memref_slice %arg3[%add3A_11] : memref<16384xi32, #tpu.memory_space<hbm>> -> memref<128xi32, #tpu.memory_space<hbm>>
    %dma_wait3A_50 = arith.constant 128 : i32
    %dma_wait3A_51 = tpu.memref_slice %arg5[%dma_wait3A_50] : memref<512xi32, #tpu.memory_space<vmem>> -> memref<128xi32, #tpu.memory_space<vmem>>
    %dma_wait3A_52 = tpu.memref_slice %arg3[%add3A_11] : memref<16384xi32, #tpu.memory_space<hbm>> -> memref<128xi32, #tpu.memory_space<hbm>>
    tpu.wait_dma2 semaphore(%arg8 : memref<!tpu.dma_semaphore, #tpu.memory_space<semaphore_mem>>) src(%dma_wait3A_52 : memref<128xi32, #tpu.memory_space<hbm>>) dst(%dma_wait3A_51 : memref<128xi32, #tpu.memory_space<vmem>>)
    %dma_start3A_53 = arith.constant 128 : i32
    %dma_start3A_54 = arith.constant 0 : i32
    %dma_start3A_55 = tpu.memref_slice %arg6[%dma_start3A_53, %dma_start3A_54] : memref<512x128xf32, #tpu.memory_space<vmem>> -> memref<128x128xf32, #tpu.memory_space<vmem>>
    %dma_start3A_56 = arith.constant 128 : i32
    %dma_start3A_57 = tpu.memref_slice %arg5[%dma_start3A_56] : memref<512xi32, #tpu.memory_space<vmem>> -> memref<128xi32, #tpu.memory_space<vmem>>
    %dma_start3A_58 = arith.constant 0 : i32
    %dma_start3A_59 = arith.constant 0 : i32
    %dma_start3A_60 = tpu.memref_slice %arg2[%dma_start3A_58, %dma_start3A_59] : memref<100000x128xf32, #tpu.memory_space<hbm>> -> memref<100000x128xf32, #tpu.memory_space<hbm>>
    tpu.enqueue_indirect_dma source(%dma_start3A_60 : memref<100000x128xf32, #tpu.memory_space<hbm>>) target(%dma_start3A_55 : memref<128x128xf32, #tpu.memory_space<vmem>>) offsets(%dma_start3A_57 : memref<128xi32, #tpu.memory_space<vmem>>) semaphore(%arg12 : memref<!tpu.dma_semaphore, #tpu.memory_space<semaphore_mem>>)
    %dma_wait3A_61 = arith.constant 256 : i32
    %dma_wait3A_62 = tpu.memref_slice %arg5[%dma_wait3A_61] : memref<512xi32, #tpu.memory_space<vmem>> -> memref<128xi32, #tpu.memory_space<vmem>>
    %dma_wait3A_63 = tpu.memref_slice %arg3[%add3A_19] : memref<16384xi32, #tpu.memory_space<hbm>> -> memref<128xi32, #tpu.memory_space<hbm>>
    %dma_wait3A_64 = arith.constant 256 : i32
    %dma_wait3A_65 = tpu.memref_slice %arg5[%dma_wait3A_64] : memref<512xi32, #tpu.memory_space<vmem>> -> memref<128xi32, #tpu.memory_space<vmem>>
    %dma_wait3A_66 = tpu.memref_slice %arg3[%add3A_19] : memref<16384xi32, #tpu.memory_space<hbm>> -> memref<128xi32, #tpu.memory_space<hbm>>
    tpu.wait_dma2 semaphore(%arg9 : memref<!tpu.dma_semaphore, #tpu.memory_space<semaphore_mem>>) src(%dma_wait3A_66 : memref<128xi32, #tpu.memory_space<hbm>>) dst(%dma_wait3A_65 : memref<128xi32, #tpu.memory_space<vmem>>)
    %dma_start3A_67 = arith.constant 256 : i32
    %dma_start3A_68 = arith.constant 0 : i32
    %dma_start3A_69 = tpu.memref_slice %arg6[%dma_start3A_67, %dma_start3A_68] : memref<512x128xf32, #tpu.memory_space<vmem>> -> memref<128x128xf32, #tpu.memory_space<vmem>>
    %dma_start3A_70 = arith.constant 256 : i32
    %dma_start3A_71 = tpu.memref_slice %arg5[%dma_start3A_70] : memref<512xi32, #tpu.memory_space<vmem>> -> memref<128xi32, #tpu.memory_space<vmem>>
    %dma_start3A_72 = arith.constant 0 : i32
    %dma_start3A_73 = arith.constant 0 : i32
    %dma_start3A_74 = tpu.memref_slice %arg2[%dma_start3A_72, %dma_start3A_73] : memref<100000x128xf32, #tpu.memory_space<hbm>> -> memref<100000x128xf32, #tpu.memory_space<hbm>>
    tpu.enqueue_indirect_dma source(%dma_start3A_74 : memref<100000x128xf32, #tpu.memory_space<hbm>>) target(%dma_start3A_69 : memref<128x128xf32, #tpu.memory_space<vmem>>) offsets(%dma_start3A_71 : memref<128xi32, #tpu.memory_space<vmem>>) semaphore(%arg13 : memref<!tpu.dma_semaphore, #tpu.memory_space<semaphore_mem>>)
    %dma_wait3A_75 = arith.constant 384 : i32
    %dma_wait3A_76 = tpu.memref_slice %arg5[%dma_wait3A_75] : memref<512xi32, #tpu.memory_space<vmem>> -> memref<128xi32, #tpu.memory_space<vmem>>
    %dma_wait3A_77 = tpu.memref_slice %arg3[%add3A_27] : memref<16384xi32, #tpu.memory_space<hbm>> -> memref<128xi32, #tpu.memory_space<hbm>>
    %dma_wait3A_78 = arith.constant 384 : i32
    %dma_wait3A_79 = tpu.memref_slice %arg5[%dma_wait3A_78] : memref<512xi32, #tpu.memory_space<vmem>> -> memref<128xi32, #tpu.memory_space<vmem>>
    %dma_wait3A_80 = tpu.memref_slice %arg3[%add3A_27] : memref<16384xi32, #tpu.memory_space<hbm>> -> memref<128xi32, #tpu.memory_space<hbm>>
    tpu.wait_dma2 semaphore(%arg10 : memref<!tpu.dma_semaphore, #tpu.memory_space<semaphore_mem>>) src(%dma_wait3A_80 : memref<128xi32, #tpu.memory_space<hbm>>) dst(%dma_wait3A_79 : memref<128xi32, #tpu.memory_space<vmem>>)
    %dma_start3A_81 = arith.constant 384 : i32
    %dma_start3A_82 = arith.constant 0 : i32
    %dma_start3A_83 = tpu.memref_slice %arg6[%dma_start3A_81, %dma_start3A_82] : memref<512x128xf32, #tpu.memory_space<vmem>> -> memref<128x128xf32, #tpu.memory_space<vmem>>
    %dma_start3A_84 = arith.constant 384 : i32
    %dma_start3A_85 = tpu.memref_slice %arg5[%dma_start3A_84] : memref<512xi32, #tpu.memory_space<vmem>> -> memref<128xi32, #tpu.memory_space<vmem>>
    %dma_start3A_86 = arith.constant 0 : i32
    %dma_start3A_87 = arith.constant 0 : i32
    %dma_start3A_88 = tpu.memref_slice %arg2[%dma_start3A_86, %dma_start3A_87] : memref<100000x128xf32, #tpu.memory_space<hbm>> -> memref<100000x128xf32, #tpu.memory_space<hbm>>
    tpu.enqueue_indirect_dma source(%dma_start3A_88 : memref<100000x128xf32, #tpu.memory_space<hbm>>) target(%dma_start3A_83 : memref<128x128xf32, #tpu.memory_space<vmem>>) offsets(%dma_start3A_85 : memref<128xi32, #tpu.memory_space<vmem>>) semaphore(%arg14 : memref<!tpu.dma_semaphore, #tpu.memory_space<semaphore_mem>>)
    %dma_wait3A_89 = arith.constant 0 : i32
    %dma_wait3A_90 = arith.constant 0 : i32
    %dma_wait3A_91 = tpu.memref_slice %arg6[%dma_wait3A_89, %dma_wait3A_90] : memref<512x128xf32, #tpu.memory_space<vmem>> -> memref<128x128xf32, #tpu.memory_space<vmem>>
    %dma_wait3A_92 = arith.constant 0 : i32
    %dma_wait3A_93 = tpu.memref_slice %arg5[%dma_wait3A_92] : memref<512xi32, #tpu.memory_space<vmem>> -> memref<128xi32, #tpu.memory_space<vmem>>
    %dma_wait3A_94 = arith.constant 0 : i32
    %dma_wait3A_95 = arith.constant 0 : i32
    %dma_wait3A_96 = tpu.memref_slice %arg2[%dma_wait3A_94, %dma_wait3A_95] : memref<100000x128xf32, #tpu.memory_space<hbm>> -> memref<100000x128xf32, #tpu.memory_space<hbm>>
    tpu.wait_indirect_dma semaphore(%arg11 : memref<!tpu.dma_semaphore, #tpu.memory_space<semaphore_mem>>) src(%dma_wait3A_96 : memref<100000x128xf32, #tpu.memory_space<hbm>>) dst(%dma_wait3A_91 : memref<128x128xf32, #tpu.memory_space<vmem>>)
    %add3A_97 = arith.constant 0 : i32
    %add3A_98 = arith.addi %mul3A_2, %add3A_97 : i32
    %dma_start3A_99 = arith.constant 0 : i32
    %dma_start3A_100 = arith.constant 0 : i32
    %dma_start3A_101 = tpu.memref_slice %arg6[%dma_start3A_99, %dma_start3A_100] : memref<512x128xf32, #tpu.memory_space<vmem>> -> memref<128x128xf32, #tpu.memory_space<vmem>>
    %dma_start3A_102 = arith.constant 0 : i32
    %dma_start3A_103 = tpu.memref_slice %arg4[%add3A_98, %dma_start3A_102] : memref<16384x128xf32, #tpu.memory_space<hbm>> -> memref<128x128xf32, #tpu.memory_space<hbm>>
    %dma_start3A_104 = arith.constant 0 : i32
    %dma_start3A_105 = tpu.memref_slice %arg4[%add3A_98, %dma_start3A_104] : memref<16384x128xf32, #tpu.memory_space<hbm>> -> memref<128x128xf32, #tpu.memory_space<hbm>>
    %dma_start3A_106 = arith.constant 0 : i32
    %dma_start3A_107 = arith.constant 0 : i32
    %dma_start3A_108 = tpu.memref_slice %arg6[%dma_start3A_106, %dma_start3A_107] : memref<512x128xf32, #tpu.memory_space<vmem>> -> memref<128x128xf32, #tpu.memory_space<vmem>>
    tpu.enqueue_dma source(%dma_start3A_108 : memref<128x128xf32, #tpu.memory_space<vmem>>) target(%dma_start3A_105 : memref<128x128xf32, #tpu.memory_space<hbm>>) target_semaphore(%arg15 : memref<!tpu.dma_semaphore, #tpu.memory_space<semaphore_mem>>)
    %dma_wait3A_109 = arith.constant 128 : i32
    %dma_wait3A_110 = arith.constant 0 : i32
    %dma_wait3A_111 = tpu.memref_slice %arg6[%dma_wait3A_109, %dma_wait3A_110] : memref<512x128xf32, #tpu.memory_space<vmem>> -> memref<128x128xf32, #tpu.memory_space<vmem>>
    %dma_wait3A_112 = arith.constant 128 : i32
    %dma_wait3A_113 = tpu.memref_slice %arg5[%dma_wait3A_112] : memref<512xi32, #tpu.memory_space<vmem>> -> memref<128xi32, #tpu.memory_space<vmem>>
    %dma_wait3A_114 = arith.constant 0 : i32
    %dma_wait3A_115 = arith.constant 0 : i32
    %dma_wait3A_116 = tpu.memref_slice %arg2[%dma_wait3A_114, %dma_wait3A_115] : memref<100000x128xf32, #tpu.memory_space<hbm>> -> memref<100000x128xf32, #tpu.memory_space<hbm>>
    tpu.wait_indirect_dma semaphore(%arg12 : memref<!tpu.dma_semaphore, #tpu.memory_space<semaphore_mem>>) src(%dma_wait3A_116 : memref<100000x128xf32, #tpu.memory_space<hbm>>) dst(%dma_wait3A_111 : memref<128x128xf32, #tpu.memory_space<vmem>>)
    %add3A_117 = arith.constant 128 : i32
    %add3A_118 = arith.addi %mul3A_2, %add3A_117 : i32
    %dma_start3A_119 = arith.constant 128 : i32
    %dma_start3A_120 = arith.constant 0 : i32
    %dma_start3A_121 = tpu.memref_slice %arg6[%dma_start3A_119, %dma_start3A_120] : memref<512x128xf32, #tpu.memory_space<vmem>> -> memref<128x128xf32, #tpu.memory_space<vmem>>
    %dma_start3A_122 = arith.constant 0 : i32
    %dma_start3A_123 = tpu.memref_slice %arg4[%add3A_118, %dma_start3A_122] : memref<16384x128xf32, #tpu.memory_space<hbm>> -> memref<128x128xf32, #tpu.memory_space<hbm>>
    %dma_start3A_124 = arith.constant 0 : i32
    %dma_start3A_125 = tpu.memref_slice %arg4[%add3A_118, %dma_start3A_124] : memref<16384x128xf32, #tpu.memory_space<hbm>> -> memref<128x128xf32, #tpu.memory_space<hbm>>
    %dma_start3A_126 = arith.constant 128 : i32
    %dma_start3A_127 = arith.constant 0 : i32
    %dma_start3A_128 = tpu.memref_slice %arg6[%dma_start3A_126, %dma_start3A_127] : memref<512x128xf32, #tpu.memory_space<vmem>> -> memref<128x128xf32, #tpu.memory_space<vmem>>
    tpu.enqueue_dma source(%dma_start3A_128 : memref<128x128xf32, #tpu.memory_space<vmem>>) target(%dma_start3A_125 : memref<128x128xf32, #tpu.memory_space<hbm>>) target_semaphore(%arg15 : memref<!tpu.dma_semaphore, #tpu.memory_space<semaphore_mem>>)
    %dma_wait3A_129 = arith.constant 256 : i32
    %dma_wait3A_130 = arith.constant 0 : i32
    %dma_wait3A_131 = tpu.memref_slice %arg6[%dma_wait3A_129, %dma_wait3A_130] : memref<512x128xf32, #tpu.memory_space<vmem>> -> memref<128x128xf32, #tpu.memory_space<vmem>>
    %dma_wait3A_132 = arith.constant 256 : i32
    %dma_wait3A_133 = tpu.memref_slice %arg5[%dma_wait3A_132] : memref<512xi32, #tpu.memory_space<vmem>> -> memref<128xi32, #tpu.memory_space<vmem>>
    %dma_wait3A_134 = arith.constant 0 : i32
    %dma_wait3A_135 = arith.constant 0 : i32
    %dma_wait3A_136 = tpu.memref_slice %arg2[%dma_wait3A_134, %dma_wait3A_135] : memref<100000x128xf32, #tpu.memory_space<hbm>> -> memref<100000x128xf32, #tpu.memory_space<hbm>>
    tpu.wait_indirect_dma semaphore(%arg13 : memref<!tpu.dma_semaphore, #tpu.memory_space<semaphore_mem>>) src(%dma_wait3A_136 : memref<100000x128xf32, #tpu.memory_space<hbm>>) dst(%dma_wait3A_131 : memref<128x128xf32, #tpu.memory_space<vmem>>)
    %add3A_137 = arith.constant 256 : i32
    %add3A_138 = arith.addi %mul3A_2, %add3A_137 : i32
    %dma_start3A_139 = arith.constant 256 : i32
    %dma_start3A_140 = arith.constant 0 : i32
    %dma_start3A_141 = tpu.memref_slice %arg6[%dma_start3A_139, %dma_start3A_140] : memref<512x128xf32, #tpu.memory_space<vmem>> -> memref<128x128xf32, #tpu.memory_space<vmem>>
    %dma_start3A_142 = arith.constant 0 : i32
    %dma_start3A_143 = tpu.memref_slice %arg4[%add3A_138, %dma_start3A_142] : memref<16384x128xf32, #tpu.memory_space<hbm>> -> memref<128x128xf32, #tpu.memory_space<hbm>>
    %dma_start3A_144 = arith.constant 0 : i32
    %dma_start3A_145 = tpu.memref_slice %arg4[%add3A_138, %dma_start3A_144] : memref<16384x128xf32, #tpu.memory_space<hbm>> -> memref<128x128xf32, #tpu.memory_space<hbm>>
    %dma_start3A_146 = arith.constant 256 : i32
    %dma_start3A_147 = arith.constant 0 : i32
    %dma_start3A_148 = tpu.memref_slice %arg6[%dma_start3A_146, %dma_start3A_147] : memref<512x128xf32, #tpu.memory_space<vmem>> -> memref<128x128xf32, #tpu.memory_space<vmem>>
    tpu.enqueue_dma source(%dma_start3A_148 : memref<128x128xf32, #tpu.memory_space<vmem>>) target(%dma_start3A_145 : memref<128x128xf32, #tpu.memory_space<hbm>>) target_semaphore(%arg15 : memref<!tpu.dma_semaphore, #tpu.memory_space<semaphore_mem>>)
    %dma_wait3A_149 = arith.constant 384 : i32
    %dma_wait3A_150 = arith.constant 0 : i32
    %dma_wait3A_151 = tpu.memref_slice %arg6[%dma_wait3A_149, %dma_wait3A_150] : memref<512x128xf32, #tpu.memory_space<vmem>> -> memref<128x128xf32, #tpu.memory_space<vmem>>
    %dma_wait3A_152 = arith.constant 384 : i32
    %dma_wait3A_153 = tpu.memref_slice %arg5[%dma_wait3A_152] : memref<512xi32, #tpu.memory_space<vmem>> -> memref<128xi32, #tpu.memory_space<vmem>>
    %dma_wait3A_154 = arith.constant 0 : i32
    %dma_wait3A_155 = arith.constant 0 : i32
    %dma_wait3A_156 = tpu.memref_slice %arg2[%dma_wait3A_154, %dma_wait3A_155] : memref<100000x128xf32, #tpu.memory_space<hbm>> -> memref<100000x128xf32, #tpu.memory_space<hbm>>
    tpu.wait_indirect_dma semaphore(%arg14 : memref<!tpu.dma_semaphore, #tpu.memory_space<semaphore_mem>>) src(%dma_wait3A_156 : memref<100000x128xf32, #tpu.memory_space<hbm>>) dst(%dma_wait3A_151 : memref<128x128xf32, #tpu.memory_space<vmem>>)
    %add3A_157 = arith.constant 384 : i32
    %add3A_158 = arith.addi %mul3A_2, %add3A_157 : i32
    %dma_start3A_159 = arith.constant 384 : i32
    %dma_start3A_160 = arith.constant 0 : i32
    %dma_start3A_161 = tpu.memref_slice %arg6[%dma_start3A_159, %dma_start3A_160] : memref<512x128xf32, #tpu.memory_space<vmem>> -> memref<128x128xf32, #tpu.memory_space<vmem>>
    %dma_start3A_162 = arith.constant 0 : i32
    %dma_start3A_163 = tpu.memref_slice %arg4[%add3A_158, %dma_start3A_162] : memref<16384x128xf32, #tpu.memory_space<hbm>> -> memref<128x128xf32, #tpu.memory_space<hbm>>
    %dma_start3A_164 = arith.constant 0 : i32
    %dma_start3A_165 = tpu.memref_slice %arg4[%add3A_158, %dma_start3A_164] : memref<16384x128xf32, #tpu.memory_space<hbm>> -> memref<128x128xf32, #tpu.memory_space<hbm>>
    %dma_start3A_166 = arith.constant 384 : i32
    %dma_start3A_167 = arith.constant 0 : i32
    %dma_start3A_168 = tpu.memref_slice %arg6[%dma_start3A_166, %dma_start3A_167] : memref<512x128xf32, #tpu.memory_space<vmem>> -> memref<128x128xf32, #tpu.memory_space<vmem>>
    tpu.enqueue_dma source(%dma_start3A_168 : memref<128x128xf32, #tpu.memory_space<vmem>>) target(%dma_start3A_165 : memref<128x128xf32, #tpu.memory_space<hbm>>) target_semaphore(%arg15 : memref<!tpu.dma_semaphore, #tpu.memory_space<semaphore_mem>>)
    %dma_wait3A_169 = arith.constant 0 : i32
    %dma_wait3A_170 = arith.constant 0 : i32
    %dma_wait3A_171 = tpu.memref_slice %arg6[%dma_wait3A_169, %dma_wait3A_170] : memref<512x128xf32, #tpu.memory_space<vmem>> -> memref<128x128xf32, #tpu.memory_space<vmem>>
    %dma_wait3A_172 = arith.constant 0 : i32
    %dma_wait3A_173 = tpu.memref_slice %arg4[%add3A_98, %dma_wait3A_172] : memref<16384x128xf32, #tpu.memory_space<hbm>> -> memref<128x128xf32, #tpu.memory_space<hbm>>
    %dma_wait3A_174 = arith.constant 0 : i32
    %dma_wait3A_175 = tpu.memref_slice %arg4[%add3A_98, %dma_wait3A_174] : memref<16384x128xf32, #tpu.memory_space<hbm>> -> memref<128x128xf32, #tpu.memory_space<hbm>>
    %dma_wait3A_176 = arith.constant 0 : i32
    %dma_wait3A_177 = arith.constant 0 : i32
    %dma_wait3A_178 = tpu.memref_slice %arg6[%dma_wait3A_176, %dma_wait3A_177] : memref<512x128xf32, #tpu.memory_space<vmem>> -> memref<128x128xf32, #tpu.memory_space<vmem>>
    tpu.wait_dma2 semaphore(%arg15 : memref<!tpu.dma_semaphore, #tpu.memory_space<semaphore_mem>>) src(%dma_wait3A_178 : memref<128x128xf32, #tpu.memory_space<vmem>>) dst(%dma_wait3A_175 : memref<128x128xf32, #tpu.memory_space<hbm>>)
    %dma_wait3A_179 = arith.constant 128 : i32
    %dma_wait3A_180 = arith.constant 0 : i32
    %dma_wait3A_181 = tpu.memref_slice %arg6[%dma_wait3A_179, %dma_wait3A_180] : memref<512x128xf32, #tpu.memory_space<vmem>> -> memref<128x128xf32, #tpu.memory_space<vmem>>
    %dma_wait3A_182 = arith.constant 0 : i32
    %dma_wait3A_183 = tpu.memref_slice %arg4[%add3A_118, %dma_wait3A_182] : memref<16384x128xf32, #tpu.memory_space<hbm>> -> memref<128x128xf32, #tpu.memory_space<hbm>>
    %dma_wait3A_184 = arith.constant 0 : i32
    %dma_wait3A_185 = tpu.memref_slice %arg4[%add3A_118, %dma_wait3A_184] : memref<16384x128xf32, #tpu.memory_space<hbm>> -> memref<128x128xf32, #tpu.memory_space<hbm>>
    %dma_wait3A_186 = arith.constant 128 : i32
    %dma_wait3A_187 = arith.constant 0 : i32
    %dma_wait3A_188 = tpu.memref_slice %arg6[%dma_wait3A_186, %dma_wait3A_187] : memref<512x128xf32, #tpu.memory_space<vmem>> -> memref<128x128xf32, #tpu.memory_space<vmem>>
    tpu.wait_dma2 semaphore(%arg15 : memref<!tpu.dma_semaphore, #tpu.memory_space<semaphore_mem>>) src(%dma_wait3A_188 : memref<128x128xf32, #tpu.memory_space<vmem>>) dst(%dma_wait3A_185 : memref<128x128xf32, #tpu.memory_space<hbm>>)
    %dma_wait3A_189 = arith.constant 256 : i32
    %dma_wait3A_190 = arith.constant 0 : i32
    %dma_wait3A_191 = tpu.memref_slice %arg6[%dma_wait3A_189, %dma_wait3A_190] : memref<512x128xf32, #tpu.memory_space<vmem>> -> memref<128x128xf32, #tpu.memory_space<vmem>>
    %dma_wait3A_192 = arith.constant 0 : i32
    %dma_wait3A_193 = tpu.memref_slice %arg4[%add3A_138, %dma_wait3A_192] : memref<16384x128xf32, #tpu.memory_space<hbm>> -> memref<128x128xf32, #tpu.memory_space<hbm>>
    %dma_wait3A_194 = arith.constant 0 : i32
    %dma_wait3A_195 = tpu.memref_slice %arg4[%add3A_138, %dma_wait3A_194] : memref<16384x128xf32, #tpu.memory_space<hbm>> -> memref<128x128xf32, #tpu.memory_space<hbm>>
    %dma_wait3A_196 = arith.constant 256 : i32
    %dma_wait3A_197 = arith.constant 0 : i32
    %dma_wait3A_198 = tpu.memref_slice %arg6[%dma_wait3A_196, %dma_wait3A_197] : memref<512x128xf32, #tpu.memory_space<vmem>> -> memref<128x128xf32, #tpu.memory_space<vmem>>
    tpu.wait_dma2 semaphore(%arg15 : memref<!tpu.dma_semaphore, #tpu.memory_space<semaphore_mem>>) src(%dma_wait3A_198 : memref<128x128xf32, #tpu.memory_space<vmem>>) dst(%dma_wait3A_195 : memref<128x128xf32, #tpu.memory_space<hbm>>)
    %dma_wait3A_199 = arith.constant 384 : i32
    %dma_wait3A_200 = arith.constant 0 : i32
    %dma_wait3A_201 = tpu.memref_slice %arg6[%dma_wait3A_199, %dma_wait3A_200] : memref<512x128xf32, #tpu.memory_space<vmem>> -> memref<128x128xf32, #tpu.memory_space<vmem>>
    %dma_wait3A_202 = arith.constant 0 : i32
    %dma_wait3A_203 = tpu.memref_slice %arg4[%add3A_158, %dma_wait3A_202] : memref<16384x128xf32, #tpu.memory_space<hbm>> -> memref<128x128xf32, #tpu.memory_space<hbm>>
    %dma_wait3A_204 = arith.constant 0 : i32
    %dma_wait3A_205 = tpu.memref_slice %arg4[%add3A_158, %dma_wait3A_204] : memref<16384x128xf32, #tpu.memory_space<hbm>> -> memref<128x128xf32, #tpu.memory_space<hbm>>
    %dma_wait3A_206 = arith.constant 384 : i32
    %dma_wait3A_207 = arith.constant 0 : i32
    %dma_wait3A_208 = tpu.memref_slice %arg6[%dma_wait3A_206, %dma_wait3A_207] : memref<512x128xf32, #tpu.memory_space<vmem>> -> memref<128x128xf32, #tpu.memory_space<vmem>>
    tpu.wait_dma2 semaphore(%arg15 : memref<!tpu.dma_semaphore, #tpu.memory_space<semaphore_mem>>) src(%dma_wait3A_208 : memref<128x128xf32, #tpu.memory_space<vmem>>) dst(%dma_wait3A_205 : memref<128x128xf32, #tpu.memory_space<hbm>>)
    return
  }
}

</mosaic_0001>

<sc_bundles>
// kernel: kernel.3.cloned.1.call-start
scs
__scs_entry_jumppad:
0x0: {  	(pc) =	sbr.rel $0x88, $3  }
0x1: {  	(tag) =	ssettag $0x0;
	lr =	simm.s32 $0x1  }
0x2: {  	[smem:$0x3F9F] =	sst lr;
	_ =	strace $0xD0000000  }
0x3: {  	_ = 	snop  }
0x4: {  	_ = 	snop  }
0x5: {  	_ = 	snop  }
0x6: {  	_ = 	snop  }
0x7: {  	_ = 	snop  }
__scs_overlays_trampoline_lowered:
0x8: {  	[smem:$0x3FAE] =	sst s0  }
0x9: {  	[smem:$0x3FAF] =	sst s1  }
0xa: {  	[smem:$0x3FB0] =	sst s2  }
0xb: {  	[smem:$0x3FB1] =	sst s3  }
0xc: {  	[smem:$0x3FB2] =	sst s4  }
0xd: {  	[smem:$0x3FB3] =	sst s5  }
0xe: {  	[smem:$0x3FB4] =	sst s6  }
0xf: {  	[smem:$0x3FB5] =	sst s7  }
0x10: {  	[smem:$0x3FB6] =	sst s8  }
0x11: {  	[smem:$0x3FB7] =	sst s9;
	s0 =	simm.s32 @!p0 $0x0  }
0x12: {  	s1 =	sld [smem:$0x3F9D];
	s0 =	simm.s32 @p0 $0x1  }
0x13: {  	[smem:$0x3FB8] =	sst s0;
	s0 =	simm.s32 @!p1 $0x0  }
0x14: {  	s2 =	sld [smem:$0x3F9C];
	s0 =	simm.s32 @p1 $0x1  }
0x15: {  	[smem:$0x3FB9] =	sst s0;
	s0 =	simm.s32 @!p2 $0x0  }
0x16: {  	s3 =	sld [smem:$0x3FDB];
	s0 =	simm.s32 @p2 $0x1  }
0x17: {  	s4 =	simm.s32 $0x1BF5;
	[smem:$0x3FBB] =	sst s0  }
0x18: {  	s0 =	sld [smem:$0x3F9E];
	_ =	swait.ge [sflag:s4], $0x0  }
0x19: {  	s7 =	sld [smem:$0x3F9F]  }
0x1a: {  	s8 =	sadd.s32 $0xFFFFE003, lr  }
0x1b: {  	s9 =	sadd.s32 $0xFFFFFEF7, lr;
	s5 =	simm.s32 $0xFFFFFFFF;
	p2 =	slt.u32 s8, $0xFFFFF086  }
0x1c: {  	p1 =	slt.u32 s9, $0xF7A;
	s5 =	simm.s32 @!p2 $0x0  }
0x1d: {  	s5 =	simm.s32 @p1 $0x1;
	p0 =	seq.s32 s7, s2  }
0x1e: {  	s7 =	smul.u32 @!p0 $0xF7A, s2;
	p2 =	seq.s32 @!p0 s5, $0x0  }
0x1f: {  	s9 =	smul.u32 $0xF7A, s1;
	s8 =	simm.s32 @!p0 $0x1BF5;
	p2 =	por !p2, p0  }
0x20: {  	[sflag:s8] =	ssyncset.s32 @!p0 $0xFFFFF086;
	s6 =	sadd.s32 @!p0 s3, s7;
	s7 =	simm.s32 @!p0 $0x108  }
0x21: {  	s3 =	sadd.s32 s3, s9;
	s6 =	sadd.s32 @!p0 $0x88, s6;
	s7 =	simm.s32 @p2 $0x1082  }
0x22: {  	[simem:s7], [sflag:s8] =	dma.local @!p0 [hbm:s6], $0xF7A  }
0x23: {  	s9 =	sor.u32 $0xD0000000, s2;
	s6 =	simm.s32 $0x108;
	_ =	swait.ge @!p0 [sflag:s8], $0x0  }
0x24: {  	s3 =	sadd.s32 $0x88, s3;
	s6 =	simm.s32 @!p1 $0x1082;
	[sflag:s4] =	ssyncset.s32 $0xFFFFF086  }
0x25: {  	[simem:s6], [sflag:s4] =	dma.local [hbm:s3], $0xF7A  }
0x26: {  	[smem:$0x3F9F] =	sst s1;
	(tag) =	ssettag s2;
	_ =	strace s9  }
0x27: {  	s1 =	sld [smem:$0x3FAF]  }
0x28: {  	s2 =	sld [smem:$0x3FB0]  }
0x29: {  	s4 =	sld [smem:$0x3FB2]  }
0x2a: {  	p0 =	seq.s32 s5, $0x0;
	s5 =	sld [smem:$0x3FB3]  }
0x2b: {  	s6 =	sld [smem:$0x3FB4]  }
0x2c: {  	s7 =	sld [smem:$0x3FB5]  }
0x2d: {  	s3 =	simm.s32 $0x108;
	s8 =	sld [smem:$0x3FB6]  }
0x2e: {  	s3 =	simm.s32 @!p0 $0x1082;
	s9 =	sld [smem:$0x3FB7]  }
0x2f: {  	lr =	sadd.s32 s0, s3;
	s0 =	sld [smem:$0x3FAE]  }
0x30: {  	s3 =	sld [smem:$0x3FB1]  }
0x31: {  	[smem:$0x3FBA] =	sst s10  }
0x32: {  	s10 =	sld [smem:$0x3FB8];
	_ =	sdelay $0x3  }
0x33: {  	p0 =	seq.s32 s10, $0x1;
	s10 =	sld [smem:$0x3FBA];
	_ =	sdelay $0x3  }
0x34: {  	[smem:$0x3FBA] =	sst s10  }
0x35: {  	s10 =	sld [smem:$0x3FB9];
	_ =	sdelay $0x3  }
0x36: {  	p1 =	seq.s32 s10, $0x1;
	s10 =	sld [smem:$0x3FBA];
	_ =	sdelay $0x3  }
0x37: {  	[smem:$0x3FBA] =	sst s10  }
0x38: {  	s10 =	sld [smem:$0x3FBB]  }
0x39: {  	_ = 	snop;
	(pc) =	sbr.ind lr, $3  }
0x3a: {  	_ = 	snop  }
0x3b: {  	_ = 	snop  }
0x3c: {  	p2 =	seq.s32 s10, $0x1;
	s10 =	sld [smem:$0x3FBA]  }
0x3d: {  	_ =	shalt  }
0x3e: {  	_ =	shalt  }
0x3f: {  	_ =	shalt  }
0x40: {  	_ =	shalt  }
0x41: {  	_ =	shalt  }
0x42: {  	_ =	shalt  }
0x43: {  	_ =	shalt  }
0x44: {  	_ =	shalt  }
0x45: {  	_ =	shalt  }
0x46: {  	_ =	shalt  }
0x47: {  	_ =	shalt  }
0x48: {  	_ =	shalt  }
0x49: {  	_ =	shalt  }
0x4a: {  	_ =	shalt  }
0x4b: {  	_ =	shalt  }
0x4c: {  	_ =	shalt  }
0x4d: {  	_ =	shalt  }
0x4e: {  	_ =	shalt  }
0x4f: {  	_ =	shalt  }
0x50: {  	_ =	shalt  }
0x51: {  	_ =	shalt  }
0x52: {  	_ =	shalt  }
0x53: {  	_ =	shalt  }
0x54: {  	_ =	shalt  }
0x55: {  	_ =	shalt  }
0x56: {  	_ =	shalt  }
0x57: {  	_ =	shalt  }
0x58: {  	_ =	shalt  }
0x59: {  	_ =	shalt  }
0x5a: {  	_ =	shalt  }
0x5b: {  	_ =	shalt  }
0x5c: {  	_ =	shalt  }
0x5d: {  	_ =	shalt  }
0x5e: {  	_ =	shalt  }
0x5f: {  	_ =	shalt  }
0x60: {  	_ =	shalt  }
0x61: {  	_ =	shalt  }
0x62: {  	_ =	shalt  }
0x63: {  	_ =	shalt  }
0x64: {  	_ =	shalt  }
0x65: {  	_ =	shalt  }
0x66: {  	_ =	shalt  }
0x67: {  	_ =	shalt  }
0x68: {  	_ =	shalt  }
0x69: {  	_ =	shalt  }
0x6a: {  	_ =	shalt  }
0x6b: {  	_ =	shalt  }
0x6c: {  	_ =	shalt  }
0x6d: {  	_ =	shalt  }
0x6e: {  	_ =	shalt  }
0x6f: {  	_ =	shalt  }
0x70: {  	_ =	shalt  }
0x71: {  	_ =	shalt  }
0x72: {  	_ =	shalt  }
0x73: {  	_ =	shalt  }
0x74: {  	_ =	shalt  }
0x75: {  	_ =	shalt  }
0x76: {  	_ =	shalt  }
0x77: {  	_ =	shalt  }
0x78: {  	_ =	shalt  }
0x79: {  	_ =	shalt  }
0x7a: {  	_ =	shalt  }
0x7b: {  	_ =	shalt  }
0x7c: {  	_ =	shalt  }
0x7d: {  	_ =	shalt  }
0x7e: {  	_ =	shalt  }
0x7f: {  	_ =	shalt  }
0x80: {  	_ =	shalt  }
0x81: {  	_ =	shalt  }
0x82: {  	_ =	shalt  }
0x83: {  	_ =	shalt  }
0x84: {  	_ =	shalt  }
0x85: {  	_ =	shalt  }
0x86: {  	_ =	shalt  }
0x87: {  	_ =	shalt  }
.Lfunc_end0:
.L_simem_size_0:
called_computation_lowered:
.L_overlay_start_0:
0x88: {  	s2 =	sld [smem:$0x3FD9]  }
0x89: {  	s3 =	sld [smem:$0x3FFE];
	_ =	sdelay $0x1  }
0x8a: {  	s1 =	srdreg.scid  }
0x8b: {  	s0 =	sand.u32 $0x1, s1  }
0x8c: {  	s18 =	sshll.u32 s0, $0xA;
	s2 =	sadd.s32 s3, s2  }
0x8d: {  	s2 =	sadd.s32 s2, s18  }
0x8e: {  	[smem:$0x3FC6] =	sst s2  }
0x8f: {  	_ = 	snop  }
0x90: {  	s2 =	sld [smem:$0x3FC9]  }
0x91: {  	s19 =	sld [smem:$0x3FC8]  }
0x92: {  	s4 =	sld [smem:$0x3FD0];
	(tm) =	ssettm $0x1  }
0x93: {  	s5 =	sld [smem:$0x3FFB];
	_ =	sdelay $0x3  }
0x94: {  	_ =	strace s5  }
0x95: {  	s5 =	sld [smem:$0x3FFC];
	_ =	sdelay $0x3  }
0x96: {  	_ =	strace s5  }
0x97: {  	s5 =	sld [smem:$0x3FFD];
	_ =	sdelay $0x3  }
0x98: {  	_ =	strace s5  }
0x99: {  	_ =	strace $0x8FFFFFFF  }
0x9a: {  	s20 =	sld [smem:$0x3FDB];
	_ =	sdelay $0x1  }
0x9b: {  	s6 =	simm.s32 $_scs_section_size  }
0x9c: {  	s7 =	simm.s32 $_size__tile_overlayer_lowered;
	s8 =	simm.s32 $_tile_overlayer_lowered  }
0x9d: {  	s23 =	simm.s32 $0x1BFF;
	s22 =	sshll.u32 s8, $0x1;
	s5 =	sadd.s32 s6, s20  }
0x9e: {  	s9 =	simm.s32 $0x0;
	s21 =	sshll.u32 s7, $0x1;
	s7 =	sadd.s32 s22, s5  }
0x9f: {  	[timem:s9], [sflag:s23] =	dma.local [hbm:s7], s21  }
0xa0: {  	_ =	swait.ge [sflag:s23], s21  }
0xa1: {  	s6 =	ssub.s32 $0x0, s21;
	[sflag:s23] =	ssyncset.done $0x0  }
0xa2: {  	[sflag:s23] =	ssyncadd.s32 s6;
	_ =	sdelay $0x1  }
0xa3: {  	s24 =	simm.s32 $0x1B8B  }
0xa4: {  	_ =	swait.ge [sflag:s24], $0x1  }
0xa5: {  	[sflag:s24] =	ssyncset.done $0x0  }
0xa6: {  	s25 =	simm.s32 $0x1B8E;
	[sflag:s24] =	ssyncadd.s32 $0xFFFFFFFF  }
0xa7: {  	s26 =	simm.s32 $execute0_lowered;
	[smem:$0x3FD2] =	sst s25  }
0xa8: {  	s6 =	sshll.u32 s26, $0x1;
	_ =	strace $0x80000046;
	[dreg:$0x1] =	wrdreg $0xFFFFFFFF  }
0xa9: {  	s28 =	simm.s32 $_size_execute0_lowered;
	s5 =	sadd.s32 s5, s6;
	[dreg:$0x0] =	wrdreg $0x0  }
0xaa: {  	s6 =	sshll.u32 s28, $0x1;
	[dreg:$0x2] =	wrdreg s5  }
0xab: {  	[dreg:$0x3] =	wrdreg s6  }
0xac: {  	[dreg:$0x4] =	wrdreg $0xC0  }
0xad: {  	_ =	task [dreg:s9], $0x5FFFF  }
0xae: {  	[dreg:$0x1] =	wrdreg $0xFFFFFFFF  }
0xaf: {  	[dreg:$0x0] =	wrdreg $0x60  }
0xb0: {  	[dreg:$0x2] =	wrdreg s19  }
0xb1: {  	[dreg:$0x3] =	wrdreg s2  }
0xb2: {  	[dreg:$0x4] =	wrdreg s4  }
0xb3: {  	[dreg:$0x5] =	wrdreg $0x9  }
0xb4: {  	_ =	task.clear_ibuf [dreg:s9], $0x6FFFF;
	_ =	strace $0x90000046  }
0xb5: {  	s29 =	simm.s32 $0x9;
	_ =	strace $0x80000048  }
0xb6: {  	_ =	swait.ge [sflag:s29], $0x1  }
0xb7: {  	[sflag:s29] =	ssyncadd.s32 $0xFFFFFFFF  }
0xb8: {  	_ =	strace $0x90000048  }
0xb9: {  	_ =	sfence  }
0xba: {  	s30 =	sld [smem:$0x0];
	_ =	sdelay $0x2  }
0xbb: {  	s31 =	sshll.u32 s1, $0xD;
	s1 =	sshrl.u32 s1, $0x2  }
0xbc: {  	s3 =	sand.u32 $0x4000, s31;
	s1 =	sadd.s32 s1, s30  }
0xbd: {  	s0 =	sor.u32 s3, s0;
	s1 =	sshll.u32 s1, $0x11  }
0xbe: {  	s0 =	sor.u32 s1, s0  }
0xbf: {  	s0 =	sadd.s32 $0x8F2B, s0  }
0xc0: {  	[sflag:s0] =	ssyncadd.remote.s32 $0x1  }
0xc1: {  	_ =	sfence.sel $0xFFFF  }
0xc2: {  	[dreg:$0x0] =	wrdreg $0xFFFFFFFF;
	(pc) =	sbr.abs _section_cstart, $3  }
0xc3: {  	[dreg:$0x1] =	wrdreg $0xFFFFFFFF  }
0xc4: {  	_ =	task.clear_ibuf [dreg:s9], $0x2FFFF;
	_ =	strace $0x9FFFFFFF  }
0xc5: {  	(tm) =	ssettm $0x7FFFFFFF  }
tec
execute0_lowered:
.L_overlay_start_1:
0x0: {  	(tag) =	ssettag $0x1  }
0x1: {  	s1 =	rddreg [dreg:$0x0];
	s2 =	srdreg.scid  }
0x2: {  	s9 =	rddreg [dreg:$0x1];
	s0 =	stileid.u32  }
0x3: {  	s26 =	rddreg [dreg:$0x2];
	s3 =	simm.s32 $0x0;
	s29 =	sand.u32 $0x1, s2  }
0x4: {  	s4 =	sshll.u32 s0, $0xA;
	s2 =	rddreg [dreg:$0x3];
	s5 =	sshll.u32 s29, $0x9  }
0x5: {  	s6 =	simm.s32 $0x80;
	[smem:$0x7FF] =	sst s3;
	s20 =	sor.u32 s5, s4  }
0x6: {  	_ =	strace $0x80000047;
	s22 =	sor.u32 $0x80, s20;
	s4 =	sshrl.u32 s20, $0x3  }
0x7: {  	s24 =	sor.u32 $0x100, s20;
	s31 =	sshrl.u32 s22, $0x3;
	s4 =	sadd.s32 s9, s4  }
0x8: {  	[tilespmem:s3], [sflag:$0x1] =	stream.linear.gather [hbm4b:s4+s3], $0x80, $0x38;
	[tilespmem:$0x10200] =	vst v63  }
0x9: {  	s28 =	sor.u32 $0x180, s20;
	s7 =	sshrl.u32 s24, $0x3;
	s5 =	sadd.s32 s9, s31  }
0xa: {  	[tilespmem:s6], [sflag:$0x2] =	stream.linear.gather [hbm4b:s5+s3], $0x80, $0x38;
	[tilespmem:$0x10200] =	vst v63  }
0xb: {  	s8 =	simm.s32 $0x100;
	s10 =	sshrl.u32 s28, $0x3;
	s7 =	sadd.s32 s9, s7  }
0xc: {  	[tilespmem:s8], [sflag:$0x3] =	stream.linear.gather [hbm4b:s7+s3], $0x80, $0x38;
	[tilespmem:$0x10200] =	vst v63  }
0xd: {  	s11 =	simm.s32 $0x1;
	s9 =	sadd.s32 s9, s10;
	s10 =	simm.s32 $0x180  }
0xe: {  	[tilespmem:s10], [sflag:$0x4] =	stream.linear.gather [hbm4b:s9+s3], $0x80, $0x38;
	[tilespmem:$0x10200] =	vst v63  }
0xf: {  	_ =	swait.ge [sflag:s11], $0x80  }
0x10: {  	[sflag:s11] =	ssyncset.done $0x0  }
0x11: {  	s12 =	simm.s32 $0x200;
	s13 =	simm.s32 $0x2;
	[sflag:s11] =	ssyncadd.s32 $0xFFFFFF80  }
0x12: {  	[tilespmem:s12], [sflag:$0x5] =	stream.indirect.gather [hbm4b:s1+s6], $0x80, s3, s6, $0xb8;
	[tilespmem:$0x10200] =	vst v63  }
0x13: {  	_ =	swait.ge [sflag:s13], $0x80  }
0x14: {  	[sflag:s13] =	ssyncset.done $0x0  }
0x15: {  	s14 =	simm.s32 $0x4200;
	s15 =	simm.s32 $0x3;
	[sflag:s13] =	ssyncadd.s32 $0xFFFFFF80  }
0x16: {  	[tilespmem:s14], [sflag:$0x6] =	stream.indirect.gather [hbm4b:s1+s6], $0x80, s6, s6, $0xb8;
	[tilespmem:$0x10200] =	vst v63  }
0x17: {  	_ =	swait.ge [sflag:s15], $0x80  }
0x18: {  	[sflag:s15] =	ssyncset.done $0x0  }
0x19: {  	s16 =	simm.s32 $0x8200;
	s17 =	simm.s32 $0x4;
	[sflag:s15] =	ssyncadd.s32 $0xFFFFFF80  }
0x1a: {  	[tilespmem:s16], [sflag:$0x7] =	stream.indirect.gather [hbm4b:s1+s6], $0x80, s8, s6, $0xb8;
	[tilespmem:$0x10200] =	vst v63  }
0x1b: {  	_ =	swait.ge [sflag:s17], $0x80  }
0x1c: {  	[sflag:s17] =	ssyncset.done $0x0  }
0x1d: {  	s18 =	simm.s32 $0xC200;
	s19 =	simm.s32 $0x5;
	[sflag:s17] =	ssyncadd.s32 $0xFFFFFF80  }
0x1e: {  	[tilespmem:s18], [sflag:$0x8] =	stream.indirect.gather [hbm4b:s1+s6], $0x80, s10, s6, $0xb8;
	[tilespmem:$0x10200] =	vst v63  }
0x1f: {  	_ =	swait.ge [sflag:s19], $0x4000  }
0x20: {  	s20 =	sshll.u32 s20, $0x4;
	[sflag:s19] =	ssyncset.done $0x0  }
0x21: {  	s21 =	simm.s32 $0x6;
	s20 =	sadd.s32 s26, s20;
	[sflag:s19] =	ssyncadd.s32 $0xFFFFC000  }
0x22: {  	[hbm4b:s20+s3] =	stream.linear.scatter [tilespmem:s12], [sflag:$0x9], $0x4000, $0x38;
	[tilespmem:$0x10200] =	vst v63  }
0x23: {  	_ =	swait.ge [sflag:s21], $0x4000  }
0x24: {  	s22 =	sshll.u32 s22, $0x4;
	[sflag:s21] =	ssyncset.done $0x0  }
0x25: {  	s23 =	simm.s32 $0x7;
	s22 =	sadd.s32 s26, s22;
	[sflag:s21] =	ssyncadd.s32 $0xFFFFC000  }
0x26: {  	[hbm4b:s22+s3] =	stream.linear.scatter [tilespmem:s14], [sflag:$0x9], $0x4000, $0x38;
	[tilespmem:$0x10200] =	vst v63  }
0x27: {  	_ =	swait.ge [sflag:s23], $0x4000  }
0x28: {  	s24 =	sshll.u32 s24, $0x4;
	[sflag:s23] =	ssyncset.done $0x0  }
0x29: {  	s25 =	simm.s32 $0x8;
	s24 =	sadd.s32 s26, s24;
	[sflag:s23] =	ssyncadd.s32 $0xFFFFC000  }
0x2a: {  	[hbm4b:s24+s3] =	stream.linear.scatter [tilespmem:s16], [sflag:$0x9], $0x4000, $0x38;
	[tilespmem:$0x10200] =	vst v63  }
0x2b: {  	_ =	swait.ge [sflag:s25], $0x4000  }
0x2c: {  	s28 =	sshll.u32 s28, $0x4;
	[sflag:s25] =	ssyncset.done $0x0  }
0x2d: {  	s26 =	sadd.s32 s26, s28;
	s28 =	simm.s32 $0x9;
	[sflag:s25] =	ssyncadd.s32 $0xFFFFC000  }
0x2e: {  	[hbm4b:s26+s3] =	stream.linear.scatter [tilespmem:s18], [sflag:$0x9], $0x4000, $0x38;
	[tilespmem:$0x10200] =	vst v63  }
0x2f: {  	_ =	swait.ge [sflag:s28], $0x4000  }
0x30: {  	s29 =	ssub.s32 $0x2, s29;
	[sflag:s28] =	ssyncset.done $0x0  }
0x31: {  	s30 =	sshrl.u32 s29, $0x1;
	[sflag:s28] =	ssyncadd.s32 $0xFFFFC000  }
0x32: {  	s29 =	ssub.s32 s29, s30;
	_ =	swait.ge [sflag:s28], $0x4000  }
0x33: {  	s29 =	smax.u32 s29, $0x1;
	[sflag:s28] =	ssyncset.done $0x0  }
0x34: {  	p0 =	sne.s32 s29, $0x1;
	[sflag:s28] =	ssyncadd.s32 $0xFFFFC000  }
.Ltmp0:
0x35: {  	_ =	swait.ge [sflag:s28], $0x4000;
	(pc) =	sbr.rel @!p0 .LBB2_2-.Ltmp0, $4  }
0x36: {  	[sflag:s28] =	ssyncset.done $0x0  }
0x37: {  	[sflag:s28] =	ssyncadd.s32 $0xFFFFC000  }
0x38: {  	_ =	swait.ge [sflag:s28], $0x4000  }
0x39: {  	s29 =	sadd.s32 $0xFFFFFFFF, s29;
	[sflag:s28] =	ssyncset.done $0x0  }
.LBB2_1:
0x3a: {  	p0 =	sne.s32 s29, $0x1;
	s29 =	sadd.s32 $0xFFFFFFFF, s29;
	[sflag:s28] =	ssyncadd.s32 $0xFFFFC000  }
0x3b: {  	[tilespmem:s3], [sflag:$0x1] =	stream.linear.gather [hbm4b:s4+s3], $0x80, $0x38;
	[tilespmem:$0x10200] =	vst v63  }
0x3c: {  	_ = 	snop  }
0x3d: {  	[tilespmem:s6], [sflag:$0x2] =	stream.linear.gather [hbm4b:s5+s3], $0x80, $0x38;
	[tilespmem:$0x10200] =	vst v63  }
0x3e: {  	_ = 	snop  }
0x3f: {  	[tilespmem:s8], [sflag:$0x3] =	stream.linear.gather [hbm4b:s7+s3], $0x80, $0x38;
	[tilespmem:$0x10200] =	vst v63  }
0x40: {  	_ = 	snop  }
0x41: {  	[tilespmem:s10], [sflag:$0x4] =	stream.linear.gather [hbm4b:s9+s3], $0x80, $0x38;
	[tilespmem:$0x10200] =	vst v63  }
0x42: {  	_ =	swait.ge [sflag:s11], $0x80  }
0x43: {  	[sflag:s11] =	ssyncset.done $0x0  }
0x44: {  	[sflag:s11] =	ssyncadd.s32 $0xFFFFFF80  }
0x45: {  	[tilespmem:s12], [sflag:$0x5] =	stream.indirect.gather [hbm4b:s1+s6], $0x80, s3, s6, $0xb8;
	[tilespmem:$0x10200] =	vst v63  }
0x46: {  	_ =	swait.ge [sflag:s13], $0x80  }
0x47: {  	[sflag:s13] =	ssyncset.done $0x0  }
0x48: {  	[sflag:s13] =	ssyncadd.s32 $0xFFFFFF80  }
0x49: {  	[tilespmem:s14], [sflag:$0x6] =	stream.indirect.gather [hbm4b:s1+s6], $0x80, s6, s6, $0xb8;
	[tilespmem:$0x10200] =	vst v63  }
0x4a: {  	_ =	swait.ge [sflag:s15], $0x80  }
0x4b: {  	[sflag:s15] =	ssyncset.done $0x0  }
0x4c: {  	[sflag:s15] =	ssyncadd.s32 $0xFFFFFF80  }
0x4d: {  	[tilespmem:s16], [sflag:$0x7] =	stream.indirect.gather [hbm4b:s1+s6], $0x80, s8, s6, $0xb8;
	[tilespmem:$0x10200] =	vst v63  }
0x4e: {  	_ =	swait.ge [sflag:s17], $0x80  }
0x4f: {  	[sflag:s17] =	ssyncset.done $0x0  }
0x50: {  	[sflag:s17] =	ssyncadd.s32 $0xFFFFFF80  }
0x51: {  	[tilespmem:s18], [sflag:$0x8] =	stream.indirect.gather [hbm4b:s1+s6], $0x80, s10, s6, $0xb8;
	[tilespmem:$0x10200] =	vst v63  }
0x52: {  	_ =	swait.ge [sflag:s19], $0x4000  }
0x53: {  	[sflag:s19] =	ssyncset.done $0x0  }
0x54: {  	[sflag:s19] =	ssyncadd.s32 $0xFFFFC000  }
0x55: {  	[hbm4b:s20+s3] =	stream.linear.scatter [tilespmem:s12], [sflag:$0x9], $0x4000, $0x38;
	[tilespmem:$0x10200] =	vst v63  }
0x56: {  	_ =	swait.ge [sflag:s21], $0x4000  }
0x57: {  	[sflag:s21] =	ssyncset.done $0x0  }
0x58: {  	[sflag:s21] =	ssyncadd.s32 $0xFFFFC000  }
0x59: {  	[hbm4b:s22+s3] =	stream.linear.scatter [tilespmem:s14], [sflag:$0x9], $0x4000, $0x38;
	[tilespmem:$0x10200] =	vst v63  }
0x5a: {  	_ =	swait.ge [sflag:s23], $0x4000  }
0x5b: {  	[sflag:s23] =	ssyncset.done $0x0  }
0x5c: {  	[sflag:s23] =	ssyncadd.s32 $0xFFFFC000  }
0x5d: {  	[hbm4b:s24+s3] =	stream.linear.scatter [tilespmem:s16], [sflag:$0x9], $0x4000, $0x38;
	[tilespmem:$0x10200] =	vst v63  }
0x5e: {  	_ =	swait.ge [sflag:s25], $0x4000  }
0x5f: {  	[sflag:s25] =	ssyncset.done $0x0  }
0x60: {  	[sflag:s25] =	ssyncadd.s32 $0xFFFFC000  }
0x61: {  	[hbm4b:s26+s3] =	stream.linear.scatter [tilespmem:s18], [sflag:$0x9], $0x4000, $0x38;
	[tilespmem:$0x10200] =	vst v63  }
0x62: {  	_ =	swait.ge [sflag:s28], $0x4000  }
0x63: {  	[sflag:s28] =	ssyncset.done $0x0  }
0x64: {  	[sflag:s28] =	ssyncadd.s32 $0xFFFFC000  }
0x65: {  	_ =	swait.ge [sflag:s28], $0x4000  }
0x66: {  	[sflag:s28] =	ssyncset.done $0x0  }
0x67: {  	[sflag:s28] =	ssyncadd.s32 $0xFFFFC000  }
.Ltmp1:
0x68: {  	_ =	swait.ge [sflag:s28], $0x4000;
	(pc) =	sbr.rel @p0 .LBB2_1-.Ltmp1, $4  }
0x69: {  	[sflag:s28] =	ssyncset.done $0x0  }
0x6a: {  	[sflag:s28] =	ssyncadd.s32 $0xFFFFC000  }
0x6b: {  	_ =	swait.ge [sflag:s28], $0x4000  }
0x6c: {  	[sflag:s28] =	ssyncset.done $0x0  }
.LBB2_2:
0x6d: {  	[sflag:s28] =	ssyncadd.s32 $0xFFFFC000  }
0x6e: {  	_ =	sfence.sel $0x180000  }
0x6f: {  	[bflag:$0x0] =	sbarrier.arrive $0xFFFF  }
0x70: {  	p0 =	sne.s32 s0, $0x0;
	_ =	strace $0x90000047  }
0x71: {  	s0 =	sadd.s32 @!p0 $0x100000, s2;
	[bflag:$0x2] =	sbarrier.arrive $0xFFFF  }
0x72: {  	[sflag:s0] =	ssyncadd.tile.s32 @!p0 $0x1;
	_ =	shalt  }
.Lfunc_end2:
_tile_overlayer_lowered:
.L_overlay_start_2:
0x73: {  	(tag) =	ssettag $0x2  }
0x74: {  	s0 =	rddreg [dreg:$0x0];
	s2 =	stileid.u32  }
0x75: {  	s1 =	rddreg [dreg:$0x1];
	p0 =	sne.s32 s2, $0x0  }
0x76: {  	s3 =	rddreg [dreg:$0x2];
	[bflag:$0x3] =	sbarrier.arrive $0xFFFF;
	s2 =	simm.s32 @!p0 $0x1C0A  }
0x77: {  	[timem:s3], [sflag:s2] =	dma.local @!p0 [hbm:s0], s1  }
0x78: {  	s0 =	simm.s32 @!p0 $0xA  }
0x79: {  	_ =	swait.ge @!p0 [sflag:s0], s1  }
0x7a: {  	s1 =	ssub.s32 @!p0 $0x0, s1;
	[sflag:s0] =	ssyncset.done @!p0 $0x0  }
0x7b: {  	[sflag:s0] =	ssyncadd.s32 @!p0 s1  }
0x7c: {  	[bflag:$0x3] =	sbarrier.arrive $0xFFFF  }
0x7d: {  	_ =	shalt  }

</sc_bundles>
